<compile_context>
chip_gen: v7x
topology: tpu7x:2x2x1
jax: 0.10.2.dev20260603
libtpu: 0.0.44.dev20260713+nightly
codegen_flags: <defaults>
</compile_context>

<pallas_src>
import jax
import jax.numpy as jnp
from jax import lax
from jax.experimental import pallas as pl
from jax.experimental.pallas import tpu as pltpu
from jax.experimental.pallas import tpu_sc as plsc

BATCH = 16384
EMBD_DIM = 32
NUM_CORES = 2
NUM_SUBCORES = 16
NUM_WORKERS = NUM_CORES * NUM_SUBCORES
B_PER_W = BATCH // NUM_WORKERS
LANES = 16


def _lookup_body(idx_hbm, table_hbm, out_hbm, tab_v, out_v, idx_v, sem):
    wid = lax.axis_index("s") * NUM_CORES + lax.axis_index("c")
    c_tab = pltpu.async_copy(table_hbm, tab_v, sem)
    c_idx = pltpu.async_copy(
        idx_hbm.at[pl.ds(wid * B_PER_W, B_PER_W)], idx_v.at[pl.ds(0, B_PER_W)], sem
    )
    c_tab.wait()
    c_idx.wait()

    t0a = tab_v[pl.ds(0, LANES)]
    t0b = tab_v[pl.ds(16, LANES)]
    t1a = tab_v[pl.ds(32, LANES)]
    t1b = tab_v[pl.ds(48, LANES)]
    t2a = tab_v[pl.ds(64, LANES)]
    t2b = tab_v[pl.ds(80, LANES)]
    zero16 = jnp.zeros((LANES,), jnp.int32)

    half = B_PER_W // 2
    copies = []
    for h in range(2):

        @plsc.parallel_loop(h * half, (h + 1) * half, unroll=8)
        def _row(i):
            vi = idx_v[pl.ds(i, LANES)]
            s = vi.at[zero16].get(mode="promise_in_bounds")
            m1 = s == 1
            m2 = s == 2
            out_v[i, pl.ds(0, LANES)] = jnp.where(m1, t1a, jnp.where(m2, t2a, t0a))
            out_v[i, pl.ds(LANES, LANES)] = jnp.where(
                m1, t1b, jnp.where(m2, t2b, t0b)
            )

        copies.append(
            pltpu.async_copy(
                out_v.at[pl.ds(h * half, half)],
                out_hbm.at[pl.ds(wid * B_PER_W + h * half, half)],
                sem,
            )
        )
    for c in copies:
        c.wait()


@jax.jit
def _lookup(idx_flat, table_flat):
    mesh = plsc.VectorSubcoreMesh(core_axis_name="c", subcore_axis_name="s")
    return pl.kernel(
        _lookup_body,
        out_type=jax.ShapeDtypeStruct((BATCH, EMBD_DIM), jnp.float32),
        mesh=mesh,
        compiler_params=pltpu.CompilerParams(needs_layout_passes=False),
        scratch_types=[
            pltpu.VMEM((3 * EMBD_DIM,), jnp.float32),
            pltpu.VMEM((B_PER_W, EMBD_DIM), jnp.float32),
            pltpu.VMEM((B_PER_W + LANES,), jnp.int32),
            pltpu.SemaphoreType.DMA,
        ],
    )(idx_flat, table_flat)


def kernel(bus_type, embd_table):
    idx_flat = bus_type.astype(jnp.int32).reshape(BATCH)
    return _lookup(idx_flat, embd_table.reshape(-1))

# --- scband reference (transcript-rebuilt; emitter-appended) ---
"""Pipeline reference for scband-bus-type-encoder-18975165514487 (READ-ONLY COPY).

The authoritative reference and input builder live on the scoring server;
editing this copy changes nothing except your own understanding.
"""

import jax, jax.numpy as jnp
import numpy as np

NUM_BUS_TYPES = 3
EMBD_DIM = 32
BATCH = 16384

def setup_inputs(seed: int = 0) -> dict:
    key = jax.random.key(seed)
    k_idx, k_tab = jax.random.split(key)
    bus_type = jax.random.randint(k_idx, (BATCH, 1), 0, NUM_BUS_TYPES, dtype=jnp.int64 if jax.config.jax_enable_x64 else jnp.int32)
    embd_table = jax.random.normal(k_tab, (NUM_BUS_TYPES, EMBD_DIM), dtype=jnp.float32)
    return {"bus_type": bus_type, "embd_table": embd_table}

def reference(bus_type, embd_table):
    # nn.Embedding lookup: table[idx], idx shape [B*N, 1] -> [B*N, 1, D], then squeeze(1)
    emb = jnp.take(embd_table, bus_type.astype(jnp.int32), axis=0)
    return jnp.squeeze(emb, axis=1)

if __name__ == "__main__":
    import jax
    _d = setup_inputs()
    print(jax.jit(kernel)(*tuple(_d.values())))

</pallas_src>

<mosaic_0001>
#map = affine_map<(d0, d1) -> (0)>
#map1 = affine_map<(d0, d1) -> (0, 0)>
module attributes {stable_mosaic.version = 14 : i64} {
  func.func @_lookup_body(%arg0: i32, %arg1: i32, %arg2: memref<16384xi32, #tpu.memory_space<hbm>>, %arg3: memref<96xf32, #tpu.memory_space<hbm>>, %arg4: memref<16384x32xf32, #tpu.memory_space<hbm>>, %arg5: memref<96xf32, #tpu.memory_space<vmem>>, %arg6: memref<512x32xf32, #tpu.memory_space<vmem>>, %arg7: memref<528xi32, #tpu.memory_space<vmem>>, %arg8: memref<!tpu.dma_semaphore, #tpu.memory_space<semaphore_mem>>) attributes {dimension_semantics = [#tpu.dimension_semantics<core_parallel>, #tpu.dimension_semantics<subcore_parallel>], iteration_bounds = array<i64: 2, 16>, scalar_prefetch = 0 : i64, scratch_operands = 4 : i64, tpu.core_type = #tpu.core_type<sc_vector_subcore>, window_params = [{transform_indices = #map}, {transform_indices = #map}, {transform_indices = #map1}]} {
    %mul3A = arith.constant 2 : i32
    %mul3A_0 = arith.muli %arg1, %mul3A : i32
    %add3A = arith.addi %mul3A_0, %arg0 : i32
    tpu.enqueue_dma source(%arg3 : memref<96xf32, #tpu.memory_space<hbm>>) target(%arg5 : memref<96xf32, #tpu.memory_space<vmem>>) target_semaphore(%arg8 : memref<!tpu.dma_semaphore, #tpu.memory_space<semaphore_mem>>)
    %mul3A_1 = arith.constant 512 : i32
    %mul3A_2 = arith.muli %add3A, %mul3A_1 : i32
    %dma_start3A = arith.constant 0 : i32
    %dma_start3A_3 = tpu.memref_slice %arg7[%dma_start3A] : memref<528xi32, #tpu.memory_space<vmem>> -> memref<512xi32, #tpu.memory_space<vmem>>
    %dma_start3A_4 = tpu.memref_slice %arg2[%mul3A_2] : memref<16384xi32, #tpu.memory_space<hbm>> -> memref<512xi32, #tpu.memory_space<hbm>>
    %dma_start3A_5 = arith.constant 0 : i32
    %dma_start3A_6 = tpu.memref_slice %arg7[%dma_start3A_5] : memref<528xi32, #tpu.memory_space<vmem>> -> memref<512xi32, #tpu.memory_space<vmem>>
    %dma_start3A_7 = tpu.memref_slice %arg2[%mul3A_2] : memref<16384xi32, #tpu.memory_space<hbm>> -> memref<512xi32, #tpu.memory_space<hbm>>
    tpu.enqueue_dma source(%dma_start3A_7 : memref<512xi32, #tpu.memory_space<hbm>>) target(%dma_start3A_6 : memref<512xi32, #tpu.memory_space<vmem>>) target_semaphore(%arg8 : memref<!tpu.dma_semaphore, #tpu.memory_space<semaphore_mem>>)
    tpu.wait_dma2 semaphore(%arg8 : memref<!tpu.dma_semaphore, #tpu.memory_space<semaphore_mem>>) src(%arg3 : memref<96xf32, #tpu.memory_space<hbm>>) dst(%arg5 : memref<96xf32, #tpu.memory_space<vmem>>)
    %dma_wait3A = arith.constant 0 : i32
    %dma_wait3A_8 = tpu.memref_slice %arg7[%dma_wait3A] : memref<528xi32, #tpu.memory_space<vmem>> -> memref<512xi32, #tpu.memory_space<vmem>>
    %dma_wait3A_9 = tpu.memref_slice %arg2[%mul3A_2] : memref<16384xi32, #tpu.memory_space<hbm>> -> memref<512xi32, #tpu.memory_space<hbm>>
    %dma_wait3A_10 = arith.constant 0 : i32
    %dma_wait3A_11 = tpu.memref_slice %arg7[%dma_wait3A_10] : memref<528xi32, #tpu.memory_space<vmem>> -> memref<512xi32, #tpu.memory_space<vmem>>
    %dma_wait3A_12 = tpu.memref_slice %arg2[%mul3A_2] : memref<16384xi32, #tpu.memory_space<hbm>> -> memref<512xi32, #tpu.memory_space<hbm>>
    tpu.wait_dma2 semaphore(%arg8 : memref<!tpu.dma_semaphore, #tpu.memory_space<semaphore_mem>>) src(%dma_wait3A_12 : memref<512xi32, #tpu.memory_space<hbm>>) dst(%dma_wait3A_11 : memref<512xi32, #tpu.memory_space<vmem>>)
    %get3A = arith.constant 0 : index
    %get3A_13 = tpu.vector_load %arg5[%get3A] {strides = array<i32>} : memref<96xf32, #tpu.memory_space<vmem>>, vector<16xf32>,
    %get3A_14 = arith.constant 16 : index
    %get3A_15 = tpu.vector_load %arg5[%get3A_14] {strides = array<i32>} : memref<96xf32, #tpu.memory_space<vmem>>, vector<16xf32>,
    %get3A_16 = arith.constant 32 : index
    %get3A_17 = tpu.vector_load %arg5[%get3A_16] {strides = array<i32>} : memref<96xf32, #tpu.memory_space<vmem>>, vector<16xf32>,
    %get3A_18 = arith.constant 48 : index
    %get3A_19 = tpu.vector_load %arg5[%get3A_18] {strides = array<i32>} : memref<96xf32, #tpu.memory_space<vmem>>, vector<16xf32>,
    %get3A_20 = arith.constant 64 : index
    %get3A_21 = tpu.vector_load %arg5[%get3A_20] {strides = array<i32>} : memref<96xf32, #tpu.memory_space<vmem>>, vector<16xf32>,
    %get3A_22 = arith.constant 80 : index
    %get3A_23 = tpu.vector_load %arg5[%get3A_22] {strides = array<i32>} : memref<96xf32, #tpu.memory_space<vmem>>, vector<16xf32>,
    %broadcast_in_dim3A = arith.constant 0 : i32
    %broadcast_in_dim3A_24 = vector.broadcast %broadcast_in_dim3A : i32 to vector<16xi32>
    %parallel_loop3A = arith.constant 0 : i32
    %parallel_loop3A_25 = arith.constant 256 : i32
    %parallel_loop3A_26 = arith.constant 1 : i32
    scf.for %parallel_loop3A_78 = %parallel_loop3A to %parallel_loop3A_25 step %parallel_loop3A_26  : i32 {
      %parallel_loop3A_79 = arith.index_cast %parallel_loop3A_78 : i32 to index
      %parallel_loop3A_80 = tpu.vector_load %arg7[%parallel_loop3A_79] {strides = array<i32>} : memref<528xi32, #tpu.memory_space<vmem>>, vector<16xi32>,
      %parallel_loop3A_81 = arith.constant 0 : i32
      %parallel_loop3A_82 = vector.broadcast %parallel_loop3A_81 : i32 to vector<16xi32>
      %parallel_loop3A_83 = arith.cmpi slt, %broadcast_in_dim3A_24, %parallel_loop3A_82 : vector<16xi32>
      %parallel_loop3A_84 = arith.constant 16 : i32
      %parallel_loop3A_85 = vector.broadcast %parallel_loop3A_84 : i32 to vector<16xi32>
      %parallel_loop3A_86 = arith.addi %broadcast_in_dim3A_24, %parallel_loop3A_85 : vector<16xi32>
      %parallel_loop3A_87 = arith.select %parallel_loop3A_83, %parallel_loop3A_86, %broadcast_in_dim3A_24 : vector<16xi1>, vector<16xi32>
      %parallel_loop3A_88 = vector.shape_cast %parallel_loop3A_87 : vector<16xi32> to vector<16x1xi32>
      %parallel_loop3A_89 = vector.shape_cast %parallel_loop3A_88 : vector<16x1xi32> to vector<16xi32>
      %parallel_loop3A_90 = tpu.dynamic_gather %parallel_loop3A_80[%parallel_loop3A_89] in [0] : vector<16xi32>, vector<16xi32> -> vector<16xi32>
      %parallel_loop3A_91 = arith.constant 1 : i32
      %parallel_loop3A_92 = vector.broadcast %parallel_loop3A_91 : i32 to vector<16xi32>
      %parallel_loop3A_93 = arith.cmpi eq, %parallel_loop3A_90, %parallel_loop3A_92 : vector<16xi32>
      %parallel_loop3A_94 = arith.constant 2 : i32
      %parallel_loop3A_95 = vector.broadcast %parallel_loop3A_94 : i32 to vector<16xi32>
      %parallel_loop3A_96 = arith.cmpi eq, %parallel_loop3A_90, %parallel_loop3A_95 : vector<16xi32>
      %parallel_loop3A_97 = arith.select %parallel_loop3A_96, %get3A_21, %get3A_13 : vector<16xi1>, vector<16xf32>
      %parallel_loop3A_98 = arith.select %parallel_loop3A_93, %get3A_17, %parallel_loop3A_97 : vector<16xi1>, vector<16xf32>
      %parallel_loop3A_99 = arith.index_cast %parallel_loop3A_78 : i32 to index
      %parallel_loop3A_100 = arith.constant 0 : index
      %parallel_loop3A_101 = tpu.vector_load %arg6[%parallel_loop3A_99, %parallel_loop3A_100] {strides = array<i32>} : memref<512x32xf32, #tpu.memory_space<vmem>>, vector<16xf32>,
      tpu.vector_store %arg6[%parallel_loop3A_99, %parallel_loop3A_100], %parallel_loop3A_98 {strides = array<i32>} : memref<512x32xf32, #tpu.memory_space<vmem>>, vector<16xf32>,
      %parallel_loop3A_102 = arith.select %parallel_loop3A_96, %get3A_23, %get3A_15 : vector<16xi1>, vector<16xf32>
      %parallel_loop3A_103 = arith.select %parallel_loop3A_93, %get3A_19, %parallel_loop3A_102 : vector<16xi1>, vector<16xf32>
      %parallel_loop3A_104 = arith.index_cast %parallel_loop3A_78 : i32 to index
      %parallel_loop3A_105 = arith.constant 16 : index
      %parallel_loop3A_106 = tpu.vector_load %arg6[%parallel_loop3A_104, %parallel_loop3A_105] {strides = array<i32>} : memref<512x32xf32, #tpu.memory_space<vmem>>, vector<16xf32>,
      tpu.vector_store %arg6[%parallel_loop3A_104, %parallel_loop3A_105], %parallel_loop3A_103 {strides = array<i32>} : memref<512x32xf32, #tpu.memory_space<vmem>>, vector<16xf32>,
    } {sc.loop_unroll_factor = 8 : i64, sc.parallel_access}
    %mul3A_27 = arith.constant 512 : i32
    %mul3A_28 = arith.muli %add3A, %mul3A_27 : i32
    %add3A_29 = arith.constant 0 : i32
    %add3A_30 = arith.addi %mul3A_28, %add3A_29 : i32
    %dma_start3A_31 = arith.constant 0 : i32
    %dma_start3A_32 = arith.constant 0 : i32
    %dma_start3A_33 = tpu.memref_slice %arg6[%dma_start3A_31, %dma_start3A_32] : memref<512x32xf32, #tpu.memory_space<vmem>> -> memref<256x32xf32, #tpu.memory_space<vmem>>
    %dma_start3A_34 = arith.constant 0 : i32
    %dma_start3A_35 = tpu.memref_slice %arg4[%add3A_30, %dma_start3A_34] : memref<16384x32xf32, #tpu.memory_space<hbm>> -> memref<256x32xf32, #tpu.memory_space<hbm>>
    %dma_start3A_36 = arith.constant 0 : i32
    %dma_start3A_37 = tpu.memref_slice %arg4[%add3A_30, %dma_start3A_36] : memref<16384x32xf32, #tpu.memory_space<hbm>> -> memref<256x32xf32, #tpu.memory_space<hbm>>
    %dma_start3A_38 = arith.constant 0 : i32
    %dma_start3A_39 = arith.constant 0 : i32
    %dma_start3A_40 = tpu.memref_slice %arg6[%dma_start3A_38, %dma_start3A_39] : memref<512x32xf32, #tpu.memory_space<vmem>> -> memref<256x32xf32, #tpu.memory_space<vmem>>
    tpu.enqueue_dma source(%dma_start3A_40 : memref<256x32xf32, #tpu.memory_space<vmem>>) target(%dma_start3A_37 : memref<256x32xf32, #tpu.memory_space<hbm>>) target_semaphore(%arg8 : memref<!tpu.dma_semaphore, #tpu.memory_space<semaphore_mem>>)
    %parallel_loop3A_41 = arith.constant 256 : i32
    %parallel_loop3A_42 = arith.constant 512 : i32
    %parallel_loop3A_43 = arith.constant 1 : i32
    scf.for %parallel_loop3A_78 = %parallel_loop3A_41 to %parallel_loop3A_42 step %parallel_loop3A_43  : i32 {
      %parallel_loop3A_79 = arith.index_cast %parallel_loop3A_78 : i32 to index
      %parallel_loop3A_80 = tpu.vector_load %arg7[%parallel_loop3A_79] {strides = array<i32>} : memref<528xi32, #tpu.memory_space<vmem>>, vector<16xi32>,
      %parallel_loop3A_81 = arith.constant 0 : i32
      %parallel_loop3A_82 = vector.broadcast %parallel_loop3A_81 : i32 to vector<16xi32>
      %parallel_loop3A_83 = arith.cmpi slt, %broadcast_in_dim3A_24, %parallel_loop3A_82 : vector<16xi32>
      %parallel_loop3A_84 = arith.constant 16 : i32
      %parallel_loop3A_85 = vector.broadcast %parallel_loop3A_84 : i32 to vector<16xi32>
      %parallel_loop3A_86 = arith.addi %broadcast_in_dim3A_24, %parallel_loop3A_85 : vector<16xi32>
      %parallel_loop3A_87 = arith.select %parallel_loop3A_83, %parallel_loop3A_86, %broadcast_in_dim3A_24 : vector<16xi1>, vector<16xi32>
      %parallel_loop3A_88 = vector.shape_cast %parallel_loop3A_87 : vector<16xi32> to vector<16x1xi32>
      %parallel_loop3A_89 = vector.shape_cast %parallel_loop3A_88 : vector<16x1xi32> to vector<16xi32>
      %parallel_loop3A_90 = tpu.dynamic_gather %parallel_loop3A_80[%parallel_loop3A_89] in [0] : vector<16xi32>, vector<16xi32> -> vector<16xi32>
      %parallel_loop3A_91 = arith.constant 1 : i32
      %parallel_loop3A_92 = vector.broadcast %parallel_loop3A_91 : i32 to vector<16xi32>
      %parallel_loop3A_93 = arith.cmpi eq, %parallel_loop3A_90, %parallel_loop3A_92 : vector<16xi32>
      %parallel_loop3A_94 = arith.constant 2 : i32
      %parallel_loop3A_95 = vector.broadcast %parallel_loop3A_94 : i32 to vector<16xi32>
      %parallel_loop3A_96 = arith.cmpi eq, %parallel_loop3A_90, %parallel_loop3A_95 : vector<16xi32>
      %parallel_loop3A_97 = arith.select %parallel_loop3A_96, %get3A_21, %get3A_13 : vector<16xi1>, vector<16xf32>
      %parallel_loop3A_98 = arith.select %parallel_loop3A_93, %get3A_17, %parallel_loop3A_97 : vector<16xi1>, vector<16xf32>
      %parallel_loop3A_99 = arith.index_cast %parallel_loop3A_78 : i32 to index
      %parallel_loop3A_100 = arith.constant 0 : index
      %parallel_loop3A_101 = tpu.vector_load %arg6[%parallel_loop3A_99, %parallel_loop3A_100] {strides = array<i32>} : memref<512x32xf32, #tpu.memory_space<vmem>>, vector<16xf32>,
      tpu.vector_store %arg6[%parallel_loop3A_99, %parallel_loop3A_100], %parallel_loop3A_98 {strides = array<i32>} : memref<512x32xf32, #tpu.memory_space<vmem>>, vector<16xf32>,
      %parallel_loop3A_102 = arith.select %parallel_loop3A_96, %get3A_23, %get3A_15 : vector<16xi1>, vector<16xf32>
      %parallel_loop3A_103 = arith.select %parallel_loop3A_93, %get3A_19, %parallel_loop3A_102 : vector<16xi1>, vector<16xf32>
      %parallel_loop3A_104 = arith.index_cast %parallel_loop3A_78 : i32 to index
      %parallel_loop3A_105 = arith.constant 16 : index
      %parallel_loop3A_106 = tpu.vector_load %arg6[%parallel_loop3A_104, %parallel_loop3A_105] {strides = array<i32>} : memref<512x32xf32, #tpu.memory_space<vmem>>, vector<16xf32>,
      tpu.vector_store %arg6[%parallel_loop3A_104, %parallel_loop3A_105], %parallel_loop3A_103 {strides = array<i32>} : memref<512x32xf32, #tpu.memory_space<vmem>>, vector<16xf32>,
    } {sc.loop_unroll_factor = 8 : i64, sc.parallel_access}
    %mul3A_44 = arith.constant 512 : i32
    %mul3A_45 = arith.muli %add3A, %mul3A_44 : i32
    %add3A_46 = arith.constant 256 : i32
    %add3A_47 = arith.addi %mul3A_45, %add3A_46 : i32
    %dma_start3A_48 = arith.constant 256 : i32
    %dma_start3A_49 = arith.constant 0 : i32
    %dma_start3A_50 = tpu.memref_slice %arg6[%dma_start3A_48, %dma_start3A_49] : memref<512x32xf32, #tpu.memory_space<vmem>> -> memref<256x32xf32, #tpu.memory_space<vmem>>
    %dma_start3A_51 = arith.constant 0 : i32
    %dma_start3A_52 = tpu.memref_slice %arg4[%add3A_47, %dma_start3A_51] : memref<16384x32xf32, #tpu.memory_space<hbm>> -> memref<256x32xf32, #tpu.memory_space<hbm>>
    %dma_start3A_53 = arith.constant 0 : i32
    %dma_start3A_54 = tpu.memref_slice %arg4[%add3A_47, %dma_start3A_53] : memref<16384x32xf32, #tpu.memory_space<hbm>> -> memref<256x32xf32, #tpu.memory_space<hbm>>
    %dma_start3A_55 = arith.constant 256 : i32
    %dma_start3A_56 = arith.constant 0 : i32
    %dma_start3A_57 = tpu.memref_slice %arg6[%dma_start3A_55, %dma_start3A_56] : memref<512x32xf32, #tpu.memory_space<vmem>> -> memref<256x32xf32, #tpu.memory_space<vmem>>
    tpu.enqueue_dma source(%dma_start3A_57 : memref<256x32xf32, #tpu.memory_space<vmem>>) target(%dma_start3A_54 : memref<256x32xf32, #tpu.memory_space<hbm>>) target_semaphore(%arg8 : memref<!tpu.dma_semaphore, #tpu.memory_space<semaphore_mem>>)
    %dma_wait3A_58 = arith.constant 0 : i32
    %dma_wait3A_59 = arith.constant 0 : i32
    %dma_wait3A_60 = tpu.memref_slice %arg6[%dma_wait3A_58, %dma_wait3A_59] : memref<512x32xf32, #tpu.memory_space<vmem>> -> memref<256x32xf32, #tpu.memory_space<vmem>>
    %dma_wait3A_61 = arith.constant 0 : i32
    %dma_wait3A_62 = tpu.memref_slice %arg4[%add3A_30, %dma_wait3A_61] : memref<16384x32xf32, #tpu.memory_space<hbm>> -> memref<256x32xf32, #tpu.memory_space<hbm>>
    %dma_wait3A_63 = arith.constant 0 : i32
    %dma_wait3A_64 = tpu.memref_slice %arg4[%add3A_30, %dma_wait3A_63] : memref<16384x32xf32, #tpu.memory_space<hbm>> -> memref<256x32xf32, #tpu.memory_space<hbm>>
    %dma_wait3A_65 = arith.constant 0 : i32
    %dma_wait3A_66 = arith.constant 0 : i32
    %dma_wait3A_67 = tpu.memref_slice %arg6[%dma_wait3A_65, %dma_wait3A_66] : memref<512x32xf32, #tpu.memory_space<vmem>> -> memref<256x32xf32, #tpu.memory_space<vmem>>
    tpu.wait_dma2 semaphore(%arg8 : memref<!tpu.dma_semaphore, #tpu.memory_space<semaphore_mem>>) src(%dma_wait3A_67 : memref<256x32xf32, #tpu.memory_space<vmem>>) dst(%dma_wait3A_64 : memref<256x32xf32, #tpu.memory_space<hbm>>)
    %dma_wait3A_68 = arith.constant 256 : i32
    %dma_wait3A_69 = arith.constant 0 : i32
    %dma_wait3A_70 = tpu.memref_slice %arg6[%dma_wait3A_68, %dma_wait3A_69] : memref<512x32xf32, #tpu.memory_space<vmem>> -> memref<256x32xf32, #tpu.memory_space<vmem>>
    %dma_wait3A_71 = arith.constant 0 : i32
    %dma_wait3A_72 = tpu.memref_slice %arg4[%add3A_47, %dma_wait3A_71] : memref<16384x32xf32, #tpu.memory_space<hbm>> -> memref<256x32xf32, #tpu.memory_space<hbm>>
    %dma_wait3A_73 = arith.constant 0 : i32
    %dma_wait3A_74 = tpu.memref_slice %arg4[%add3A_47, %dma_wait3A_73] : memref<16384x32xf32, #tpu.memory_space<hbm>> -> memref<256x32xf32, #tpu.memory_space<hbm>>
    %dma_wait3A_75 = arith.constant 256 : i32
    %dma_wait3A_76 = arith.constant 0 : i32
    %dma_wait3A_77 = tpu.memref_slice %arg6[%dma_wait3A_75, %dma_wait3A_76] : memref<512x32xf32, #tpu.memory_space<vmem>> -> memref<256x32xf32, #tpu.memory_space<vmem>>
    tpu.wait_dma2 semaphore(%arg8 : memref<!tpu.dma_semaphore, #tpu.memory_space<semaphore_mem>>) src(%dma_wait3A_77 : memref<256x32xf32, #tpu.memory_space<vmem>>) dst(%dma_wait3A_74 : memref<256x32xf32, #tpu.memory_space<hbm>>)
    return
  }
}

</mosaic_0001>

<sc_bundles>
// kernel: _lookup.3.cloned.1.call-start
scs
__scs_entry_jumppad:
0x0: {  	(pc) =	sbr.rel $0x88, $3  }
0x1: {  	(tag) =	ssettag $0x0;
	lr =	simm.s32 $0x1  }
0x2: {  	[smem:$0x3F9F] =	sst lr;
	_ =	strace $0xD0000000  }
0x3: {  	_ = 	snop  }
0x4: {  	_ = 	snop  }
0x5: {  	_ = 	snop  }
0x6: {  	_ = 	snop  }
0x7: {  	_ = 	snop  }
__scs_overlays_trampoline_lowered:
0x8: {  	[smem:$0x3FAE] =	sst s0  }
0x9: {  	[smem:$0x3FAF] =	sst s1  }
0xa: {  	[smem:$0x3FB0] =	sst s2  }
0xb: {  	[smem:$0x3FB1] =	sst s3  }
0xc: {  	[smem:$0x3FB2] =	sst s4  }
0xd: {  	[smem:$0x3FB3] =	sst s5  }
0xe: {  	[smem:$0x3FB4] =	sst s6  }
0xf: {  	[smem:$0x3FB5] =	sst s7  }
0x10: {  	[smem:$0x3FB6] =	sst s8  }
0x11: {  	[smem:$0x3FB7] =	sst s9;
	s0 =	simm.s32 @!p0 $0x0  }
0x12: {  	s1 =	sld [smem:$0x3F9D];
	s0 =	simm.s32 @p0 $0x1  }
0x13: {  	[smem:$0x3FB8] =	sst s0;
	s0 =	simm.s32 @!p1 $0x0  }
0x14: {  	s2 =	sld [smem:$0x3F9C];
	s0 =	simm.s32 @p1 $0x1  }
0x15: {  	[smem:$0x3FB9] =	sst s0;
	s0 =	simm.s32 @!p2 $0x0  }
0x16: {  	s3 =	sld [smem:$0x3FDB];
	s0 =	simm.s32 @p2 $0x1  }
0x17: {  	s4 =	simm.s32 $0x1BF5;
	[smem:$0x3FBB] =	sst s0  }
0x18: {  	s0 =	sld [smem:$0x3F9E];
	_ =	swait.ge [sflag:s4], $0x0  }
0x19: {  	s7 =	sld [smem:$0x3F9F]  }
0x1a: {  	s8 =	sadd.s32 $0xFFFFE003, lr  }
0x1b: {  	s9 =	sadd.s32 $0xFFFFFEF7, lr;
	s5 =	simm.s32 $0xFFFFFFFF;
	p2 =	slt.u32 s8, $0xFFFFF086  }
0x1c: {  	p1 =	slt.u32 s9, $0xF7A;
	s5 =	simm.s32 @!p2 $0x0  }
0x1d: {  	s5 =	simm.s32 @p1 $0x1;
	p0 =	seq.s32 s7, s2  }
0x1e: {  	s7 =	smul.u32 @!p0 $0xF7A, s2;
	p2 =	seq.s32 @!p0 s5, $0x0  }
0x1f: {  	s9 =	smul.u32 $0xF7A, s1;
	s8 =	simm.s32 @!p0 $0x1BF5;
	p2 =	por !p2, p0  }
0x20: {  	[sflag:s8] =	ssyncset.s32 @!p0 $0xFFFFF086;
	s6 =	sadd.s32 @!p0 s3, s7;
	s7 =	simm.s32 @!p0 $0x108  }
0x21: {  	s3 =	sadd.s32 s3, s9;
	s6 =	sadd.s32 @!p0 $0x88, s6;
	s7 =	simm.s32 @p2 $0x1082  }
0x22: {  	[simem:s7], [sflag:s8] =	dma.local @!p0 [hbm:s6], $0xF7A  }
0x23: {  	s9 =	sor.u32 $0xD0000000, s2;
	s6 =	simm.s32 $0x108;
	_ =	swait.ge @!p0 [sflag:s8], $0x0  }
0x24: {  	s3 =	sadd.s32 $0x88, s3;
	s6 =	simm.s32 @!p1 $0x1082;
	[sflag:s4] =	ssyncset.s32 $0xFFFFF086  }
0x25: {  	[simem:s6], [sflag:s4] =	dma.local [hbm:s3], $0xF7A  }
0x26: {  	[smem:$0x3F9F] =	sst s1;
	(tag) =	ssettag s2;
	_ =	strace s9  }
0x27: {  	s1 =	sld [smem:$0x3FAF]  }
0x28: {  	s2 =	sld [smem:$0x3FB0]  }
0x29: {  	s4 =	sld [smem:$0x3FB2]  }
0x2a: {  	p0 =	seq.s32 s5, $0x0;
	s5 =	sld [smem:$0x3FB3]  }
0x2b: {  	s6 =	sld [smem:$0x3FB4]  }
0x2c: {  	s7 =	sld [smem:$0x3FB5]  }
0x2d: {  	s3 =	simm.s32 $0x108;
	s8 =	sld [smem:$0x3FB6]  }
0x2e: {  	s3 =	simm.s32 @!p0 $0x1082;
	s9 =	sld [smem:$0x3FB7]  }
0x2f: {  	lr =	sadd.s32 s0, s3;
	s0 =	sld [smem:$0x3FAE]  }
0x30: {  	s3 =	sld [smem:$0x3FB1]  }
0x31: {  	[smem:$0x3FBA] =	sst s10  }
0x32: {  	s10 =	sld [smem:$0x3FB8];
	_ =	sdelay $0x3  }
0x33: {  	p0 =	seq.s32 s10, $0x1;
	s10 =	sld [smem:$0x3FBA];
	_ =	sdelay $0x3  }
0x34: {  	[smem:$0x3FBA] =	sst s10  }
0x35: {  	s10 =	sld [smem:$0x3FB9];
	_ =	sdelay $0x3  }
0x36: {  	p1 =	seq.s32 s10, $0x1;
	s10 =	sld [smem:$0x3FBA];
	_ =	sdelay $0x3  }
0x37: {  	[smem:$0x3FBA] =	sst s10  }
0x38: {  	s10 =	sld [smem:$0x3FBB]  }
0x39: {  	_ = 	snop;
	(pc) =	sbr.ind lr, $3  }
0x3a: {  	_ = 	snop  }
0x3b: {  	_ = 	snop  }
0x3c: {  	p2 =	seq.s32 s10, $0x1;
	s10 =	sld [smem:$0x3FBA]  }
0x3d: {  	_ =	shalt  }
0x3e: {  	_ =	shalt  }
0x3f: {  	_ =	shalt  }
0x40: {  	_ =	shalt  }
0x41: {  	_ =	shalt  }
0x42: {  	_ =	shalt  }
0x43: {  	_ =	shalt  }
0x44: {  	_ =	shalt  }
0x45: {  	_ =	shalt  }
0x46: {  	_ =	shalt  }
0x47: {  	_ =	shalt  }
0x48: {  	_ =	shalt  }
0x49: {  	_ =	shalt  }
0x4a: {  	_ =	shalt  }
0x4b: {  	_ =	shalt  }
0x4c: {  	_ =	shalt  }
0x4d: {  	_ =	shalt  }
0x4e: {  	_ =	shalt  }
0x4f: {  	_ =	shalt  }
0x50: {  	_ =	shalt  }
0x51: {  	_ =	shalt  }
0x52: {  	_ =	shalt  }
0x53: {  	_ =	shalt  }
0x54: {  	_ =	shalt  }
0x55: {  	_ =	shalt  }
0x56: {  	_ =	shalt  }
0x57: {  	_ =	shalt  }
0x58: {  	_ =	shalt  }
0x59: {  	_ =	shalt  }
0x5a: {  	_ =	shalt  }
0x5b: {  	_ =	shalt  }
0x5c: {  	_ =	shalt  }
0x5d: {  	_ =	shalt  }
0x5e: {  	_ =	shalt  }
0x5f: {  	_ =	shalt  }
0x60: {  	_ =	shalt  }
0x61: {  	_ =	shalt  }
0x62: {  	_ =	shalt  }
0x63: {  	_ =	shalt  }
0x64: {  	_ =	shalt  }
0x65: {  	_ =	shalt  }
0x66: {  	_ =	shalt  }
0x67: {  	_ =	shalt  }
0x68: {  	_ =	shalt  }
0x69: {  	_ =	shalt  }
0x6a: {  	_ =	shalt  }
0x6b: {  	_ =	shalt  }
0x6c: {  	_ =	shalt  }
0x6d: {  	_ =	shalt  }
0x6e: {  	_ =	shalt  }
0x6f: {  	_ =	shalt  }
0x70: {  	_ =	shalt  }
0x71: {  	_ =	shalt  }
0x72: {  	_ =	shalt  }
0x73: {  	_ =	shalt  }
0x74: {  	_ =	shalt  }
0x75: {  	_ =	shalt  }
0x76: {  	_ =	shalt  }
0x77: {  	_ =	shalt  }
0x78: {  	_ =	shalt  }
0x79: {  	_ =	shalt  }
0x7a: {  	_ =	shalt  }
0x7b: {  	_ =	shalt  }
0x7c: {  	_ =	shalt  }
0x7d: {  	_ =	shalt  }
0x7e: {  	_ =	shalt  }
0x7f: {  	_ =	shalt  }
0x80: {  	_ =	shalt  }
0x81: {  	_ =	shalt  }
0x82: {  	_ =	shalt  }
0x83: {  	_ =	shalt  }
0x84: {  	_ =	shalt  }
0x85: {  	_ =	shalt  }
0x86: {  	_ =	shalt  }
0x87: {  	_ =	shalt  }
.Lfunc_end0:
.L_simem_size_0:
called_computation_lowered:
.L_overlay_start_0:
0x88: {  	s2 =	sld [smem:$0x3FD9]  }
0x89: {  	s3 =	sld [smem:$0x3FFE];
	_ =	sdelay $0x1  }
0x8a: {  	s1 =	srdreg.scid  }
0x8b: {  	s0 =	sand.u32 $0x1, s1  }
0x8c: {  	s17 =	sshll.u32 s0, $0xA;
	s2 =	sadd.s32 s3, s2  }
0x8d: {  	s2 =	sadd.s32 s2, s17  }
0x8e: {  	[smem:$0x3FC6] =	sst s2  }
0x8f: {  	_ = 	snop  }
0x90: {  	s2 =	sld [smem:$0x3FC9]  }
0x91: {  	s18 =	sld [smem:$0x3FC8];
	(tm) =	ssettm $0x1  }
0x92: {  	s4 =	sld [smem:$0x3FFB];
	_ =	sdelay $0x3  }
0x93: {  	_ =	strace s4  }
0x94: {  	s4 =	sld [smem:$0x3FFC];
	_ =	sdelay $0x3  }
0x95: {  	_ =	strace s4  }
0x96: {  	s4 =	sld [smem:$0x3FFD];
	_ =	sdelay $0x3  }
0x97: {  	_ =	strace s4  }
0x98: {  	_ =	strace $0x8FFFFFFF  }
0x99: {  	s19 =	sld [smem:$0x3FDB];
	_ =	sdelay $0x1  }
0x9a: {  	s5 =	simm.s32 $_scs_section_size  }
0x9b: {  	s6 =	simm.s32 $_size__tile_overlayer_lowered;
	s7 =	simm.s32 $_tile_overlayer_lowered  }
0x9c: {  	s22 =	simm.s32 $0x1BFF;
	s21 =	sshll.u32 s7, $0x1;
	s4 =	sadd.s32 s5, s19  }
0x9d: {  	s8 =	simm.s32 $0x0;
	s20 =	sshll.u32 s6, $0x1;
	s6 =	sadd.s32 s21, s4  }
0x9e: {  	[timem:s8], [sflag:s22] =	dma.local [hbm:s6], s20  }
0x9f: {  	_ =	swait.ge [sflag:s22], s20  }
0xa0: {  	s5 =	ssub.s32 $0x0, s20;
	[sflag:s22] =	ssyncset.done $0x0  }
0xa1: {  	[sflag:s22] =	ssyncadd.s32 s5;
	_ =	sdelay $0x1  }
0xa2: {  	s23 =	simm.s32 $0x1B8B  }
0xa3: {  	_ =	swait.ge [sflag:s23], $0x1  }
0xa4: {  	[sflag:s23] =	ssyncset.done $0x0  }
0xa5: {  	s25 =	simm.s32 $0x1B8E;
	s24 =	sld [smem:$0x3FFE];
	[sflag:s23] =	ssyncadd.s32 $0xFFFFFFFF  }
0xa6: {  	s26 =	simm.s32 $execute0_lowered;
	[smem:$0x3FD2] =	sst s25  }
0xa7: {  	s6 =	sshll.u32 s26, $0x1;
	_ =	strace $0x80000046;
	[dreg:$0x1] =	wrdreg $0xFFFFFFFF  }
0xa8: {  	s28 =	simm.s32 $_size_execute0_lowered;
	s4 =	sadd.s32 s4, s6;
	[dreg:$0x0] =	wrdreg $0x0  }
0xa9: {  	s6 =	sshll.u32 s28, $0x1;
	[dreg:$0x2] =	wrdreg s4  }
0xaa: {  	[dreg:$0x3] =	wrdreg s6  }
0xab: {  	[dreg:$0x4] =	wrdreg $0xC0  }
0xac: {  	_ =	task [dreg:s8], $0x5FFFF  }
0xad: {  	[dreg:$0x1] =	wrdreg $0xFFFFFFFF  }
0xae: {  	[dreg:$0x0] =	wrdreg $0x60  }
0xaf: {  	[dreg:$0x2] =	wrdreg s2  }
0xb0: {  	[dreg:$0x3] =	wrdreg s18  }
0xb1: {  	[dreg:$0x4] =	wrdreg s24  }
0xb2: {  	[dreg:$0x5] =	wrdreg $0x9  }
0xb3: {  	_ =	task.clear_ibuf [dreg:s8], $0x6FFFF;
	_ =	strace $0x90000046  }
0xb4: {  	s29 =	simm.s32 $0x9;
	_ =	strace $0x80000048  }
0xb5: {  	_ =	swait.ge [sflag:s29], $0x1  }
0xb6: {  	[sflag:s29] =	ssyncadd.s32 $0xFFFFFFFF  }
0xb7: {  	_ =	strace $0x90000048  }
0xb8: {  	_ =	sfence  }
0xb9: {  	s30 =	sld [smem:$0x0];
	_ =	sdelay $0x2  }
0xba: {  	s31 =	sshll.u32 s1, $0xD;
	s1 =	sshrl.u32 s1, $0x2  }
0xbb: {  	s3 =	sand.u32 $0x4000, s31;
	s1 =	sadd.s32 s1, s30  }
0xbc: {  	s0 =	sor.u32 s3, s0;
	s1 =	sshll.u32 s1, $0x11  }
0xbd: {  	s0 =	sor.u32 s1, s0  }
0xbe: {  	s0 =	sadd.s32 $0x8F2B, s0  }
0xbf: {  	[sflag:s0] =	ssyncadd.remote.s32 $0x1  }
0xc0: {  	_ =	sfence.sel $0xFFFF  }
0xc1: {  	[dreg:$0x0] =	wrdreg $0xFFFFFFFF;
	(pc) =	sbr.abs _section_cstart, $3  }
0xc2: {  	[dreg:$0x1] =	wrdreg $0xFFFFFFFF  }
0xc3: {  	_ =	task.clear_ibuf [dreg:s8], $0x2FFFF;
	_ =	strace $0x9FFFFFFF  }
0xc4: {  	(tm) =	ssettm $0x7FFFFFFF  }
0xc5: {  	_ =	shalt  }
tec
execute0_lowered:
.L_overlay_start_1:
0x0: {  	(tag) =	ssettag $0x1  }
0x1: {  	s4 =	rddreg [dreg:$0x0]  }
0x2: {  	s2 =	rddreg [dreg:$0x1]  }
0x3: {  	s5 =	rddreg [dreg:$0x2];
	s3 =	srdreg.scid  }
0x4: {  	s0 =	rddreg [dreg:$0x3];
	s1 =	stileid.u32;
	s10 =	simm.s32 $0x80  }
0x5: {  	s11 =	simm.s32 $0x8080;
	s12 =	simm.s32 $0x0;
	s6 =	sand.u32 $0x1, s3  }
0x6: {  	s3 =	simm.s32 $0x0;
	s7 =	sshll.u32 s1, $0xA;
	s8 =	sshll.u32 s6, $0x9  }
0x7: {  	[smem:$0x7FF] =	sst s3;
	s6 =	ssub.s32 $0x2, s6;
	s7 =	sor.u32 s8, s7  }
0x8: {  	_ =	strace $0x80000047;
	s9 =	sshrl.u32 s6, $0x1;
	s8 =	sshll.u32 s7, $0x4  }
0x9: {  	s9 =	ssub.s32 s6, s9;
	s31 =	sshrl.u32 s7, $0x3;
	s8 =	sadd.s32 s8, s5  }
0xa: {  	s4 =	sadd.s32 s4, s31;
	s7 =	smax.u32 s9, $0x1;
	s9 =	simm.s32 $0x1  }
0xb: {  	v0 =	vimm.s32 $0x0;
	s5 =	sadd.s32 $0x400, s8;
	s6 =	sadd.s32 $0x1400, s8;
	s8 =	simm.s32 $0x10080  }
.LBB2_1:
0xc: {  	[tilespmem:s3], [sflag:$0x1] =	stream.linear.gather [hbm4b:s2+s3], $0x80, $0x38;
	[tilespmem:$0x10300] =	vst v63  }
0xd: {  	_ = 	snop  }
0xe: {  	[tilespmem:s8], [sflag:$0x1] =	stream.linear.gather [hbm4b:s4+s3], $0x200, $0x38;
	[tilespmem:$0x10300] =	vst v63  }
0xf: {  	_ =	swait.ge [sflag:s9], $0x80  }
0x10: {  	[sflag:s9] =	ssyncset.done $0x0  }
0x11: {  	[sflag:s9] =	ssyncadd.s32 $0xFFFFFF80  }
0x12: {  	_ =	swait.ge [sflag:s9], $0x200  }
0x13: {  	[sflag:s9] =	ssyncset.done $0x0  }
0x14: {  	[sflag:s9] =	ssyncadd.s32 $0xFFFFFE00  }
0x15: {  	s13 =	simm.s32 $0x10084;
	v2 =	vld [tilespmem:$0x0]  }
0x16: {  	v6 =	vld [tilespmem:s13+$0x3]  }
0x17: {  	v7 =	vld [tilespmem:s13+$0xFFFFFFFD]  }
0x18: {  	v8 =	vld [tilespmem:s13+$0xFFFFFFFE]  }
0x19: {  	v9 =	vld [tilespmem:s13+$0xFFFFFFFF]  }
0x1a: {  	v10 =	vld [tilespmem:s13+$0x0]  }
0x1b: {  	v11 =	vld [tilespmem:s13+$0x1]  }
0x1c: {  	v12 =	vld [tilespmem:s13+$0x2]  }
0x1d: {  	v13 =	vld [tilespmem:s13+$0xFFFFFFFC]  }
0x1e: {  	v3 =	vld [tilespmem:$0x10];
	v6 =	vperm.xlane v6, v0  }
0x1f: {  	v5 =	vld [tilespmem:$0x50];
	v26 =	vperm.xlane v7, v0;
	v27 =	vperm.xlane v8, v0  }
0x20: {  	v4 =	vld [tilespmem:$0x40];
	v7 =	vperm.xlane v9, v0;
	v8 =	vperm.xlane v10, v0  }
0x21: {  	v10 =	vperm.xlane v11, v0;
	v9 =	vperm.xlane v12, v0  }
0x22: {  	v29 =	vperm.xlane v13, v0;
	vm1 =	veq.s32 v6, $0x2;
	vm0 =	veq.s32 v6, $0x1  }
0x23: {  	v1 =	vld [tilespmem:$0x30];
	vm2 =	veq.s32 v26, $0x2;
	vm3 =	veq.s32 v27, $0x2;
	vm4 =	veq.s32 v7, $0x2  }
0x24: {  	vm5 =	veq.s32 v8, $0x2;
	vm6 =	veq.s32 v29, $0x2;
	v6 =	vsel vm1, v5, v3  }
0x25: {  	v11 =	vsel vm2, v4, v2;
	v17 =	vsel vm2, v5, v3;
	vm2 =	veq.s32 v10, $0x2  }
0x26: {  	v20 =	vsel vm3, v4, v2;
	v15 =	vsel vm3, v5, v3;
	vm3 =	veq.s32 v9, $0x2  }
0x27: {  	v21 =	vsel vm4, v4, v2;
	v18 =	vsel vm4, v5, v3;
	v24 =	vsel vm6, v4, v2  }
0x28: {  	v25 =	vsel vm6, v5, v3;
	v22 =	vsel vm5, v4, v2;
	v28 =	vsel vm0, v1, v6;
	v6 =	vld [tilespmem:$0x20]  }
0x29: {  	v23 =	vsel vm5, v5, v3;
	v12 =	vsel vm1, v4, v2;
	vm1 =	veq.s32 v27, $0x1  }
0x2a: {  	s14 =	simm.s32 $0x280;
	v19 =	vsel vm2, v4, v2;
	v14 =	vsel vm2, v5, v3;
	v16 =	vsel vm3, v4, v2  }
0x2b: {  	s15 =	simm.s32 $0x0;
	s16 =	simm.s32 $0x1008C;
	s13 =	simm.s32 $0x280;
	v13 =	vsel vm3, v5, v3;
	vm3 =	veq.s32 v29, $0x1;
	vm2 =	veq.s32 v26, $0x1;
	[tilespmem:s14+$0x190] =	vst v28  }
.LBB2_2:
0x2c: {  	v26 =	vld [tilespmem:s16+$0x3];
	s15 =	sadd.s32 $0x8, s15;
	vm4 =	veq.s32 v7, $0x1;
	vm5 =	veq.s32 v8, $0x1;
	vm6 =	veq.s32 v10, $0x1  }
0x2d: {  	v8 =	vsel vm3, v6, v24;
	v10 =	vsel vm3, v1, v25;
	vm3 =	veq.s32 v9, $0x1;
	v7 =	vld [tilespmem:s16+$0xFFFFFFFD];
	p0 =	slt.u32 s15, $0xF8  }
0x2e: {  	v9 =	vld [tilespmem:s16+$0xFFFFFFFE];
	[tilespmem:s14+$0xFFFFFE00] =	vst v8;
	v8 =	vsel vm2, v6, v11;
	v11 =	vsel vm2, v1, v17;
	v17 =	vsel vm1, v6, v20  }
0x2f: {  	v18 =	vsel vm4, v1, v18;
	v20 =	vld [tilespmem:s16+$0xFFFFFFFF];
	[tilespmem:s14+$0xFFFFFE10] =	vst v10;
	v10 =	vsel vm1, v1, v15;
	v15 =	vsel vm4, v6, v21  }
0x30: {  	v22 =	vsel vm5, v6, v22;
	v23 =	vsel vm5, v1, v23;
	v19 =	vsel vm6, v6, v19;
	v21 =	vld [tilespmem:s16+$0x0];
	[tilespmem:s14+$0xFFFFFE80] =	vst v8  }
0x31: {  	v14 =	vsel vm6, v1, v14;
	v16 =	vsel vm3, v6, v16;
	v24 =	vld [tilespmem:s16+$0x1];
	v8 =	vperm.xlane v26, v0;
	[tilespmem:s14+$0xFFFFFE90] =	vst v11  }
0x32: {  	v27 =	vsel vm0, v6, v12;
	v13 =	vsel vm3, v1, v13;
	v26 =	vperm.xlane v7, v0;
	v25 =	vld [tilespmem:s16+$0x2];
	[tilespmem:s14+$0xFFFFFF00] =	vst v17  }
0x33: {  	v12 =	vld [tilespmem:s16+$0xFFFFFFFC];
	v28 =	vperm.xlane v9, v0;
	vm1 =	veq.s32 v8, $0x2;
	[tilespmem:s14+$0xFFFFFF10] =	vst v10  }
0x34: {  	vm0 =	veq.s32 v8, $0x1;
	v7 =	vperm.xlane v20, v0;
	v9 =	vsel vm1, v5, v3;
	[tilespmem:s14+$0xFFFFFF80] =	vst v15  }
0x35: {  	vm2 =	veq.s32 v26, $0x2;
	s14 =	sadd.s32 $0x400, s14;
	v8 =	vperm.xlane v21, v0;
	v9 =	vsel vm0, v1, v9;
	[tilespmem:s13+$0xFFFFFF90] =	vst v18  }
0x36: {  	vm3 =	veq.s32 v28, $0x2;
	vm4 =	veq.s32 v7, $0x2;
	v10 =	vperm.xlane v24, v0;
	[tilespmem:s14+$0x190] =	vst v9  }
0x37: {  	v11 =	vsel vm2, v4, v2;
	vm5 =	veq.s32 v8, $0x2;
	v9 =	vperm.xlane v25, v0;
	[tilespmem:s13+$0x0] =	vst v22  }
0x38: {  	v17 =	vsel vm2, v5, v3;
	v29 =	vperm.xlane v12, v0;
	vm2 =	veq.s32 v10, $0x2;
	[tilespmem:s13+$0x10] =	vst v23  }
0x39: {  	v20 =	vsel vm3, v4, v2;
	v15 =	vsel vm3, v5, v3;
	vm3 =	veq.s32 v9, $0x2;
	[tilespmem:s13+$0x80] =	vst v19  }
.Ltmp0:
0x3a: {  	v21 =	vsel vm4, v4, v2;
	v18 =	vsel vm4, v5, v3;
	vm6 =	veq.s32 v29, $0x2;
	[tilespmem:s13+$0x90] =	vst v14;
	(pc) =	sbr.rel @p0 .LBB2_2-.Ltmp0, $4  }
0x3b: {  	v22 =	vsel vm5, v4, v2;
	v24 =	vsel vm6, v4, v2;
	v25 =	vsel vm6, v5, v3;
	[tilespmem:s13+$0x100] =	vst v16  }
0x3c: {  	v23 =	vsel vm5, v5, v3;
	v19 =	vsel vm2, v4, v2;
	v14 =	vsel vm2, v5, v3;
	[tilespmem:s13+$0x110] =	vst v13  }
0x3d: {  	v12 =	vsel vm1, v4, v2;
	v16 =	vsel vm3, v4, v2;
	v13 =	vsel vm3, v5, v3;
	[tilespmem:s13+$0x180] =	vst v27;
	s13 =	smov.u32 s14  }
0x3e: {  	s16 =	sadd.s32 $0x8, s16;
	vm1 =	veq.s32 v28, $0x1;
	vm2 =	veq.s32 v26, $0x1;
	vm3 =	veq.s32 v29, $0x1  }
0x3f: {  	v24 =	vsel vm3, v6, v24  }
0x40: {  	v25 =	vsel vm3, v1, v25;
	[tilespmem:s14+$0xFFFFFE00] =	vst v24  }
0x41: {  	v11 =	vsel vm2, v6, v11;
	[tilespmem:s14+$0xFFFFFE10] =	vst v25  }
0x42: {  	v17 =	vsel vm2, v1, v17;
	[tilespmem:s14+$0xFFFFFE80] =	vst v11  }
0x43: {  	vm2 =	veq.s32 v7, $0x1;
	v7 =	vsel vm1, v1, v15;
	[tilespmem:s14+$0xFFFFFE90] =	vst v17  }
0x44: {  	v11 =	vsel vm1, v6, v20;
	[tilespmem:s14+$0xFFFFFF10] =	vst v7  }
0x45: {  	vm1 =	veq.s32 v8, $0x1;
	[tilespmem:s14+$0xFFFFFF00] =	vst v11;
	v11 =	vsel vm2, v6, v21  }
0x46: {  	v8 =	vsel vm1, v6, v22;
	[tilespmem:s14+$0xFFFFFF80] =	vst v11  }
0x47: {  	v7 =	vsel vm2, v1, v18;
	vm2 =	veq.s32 v10, $0x1;
	[tilespmem:s13+$0x0] =	vst v8  }
0x48: {  	v8 =	vsel vm2, v6, v19;
	[tilespmem:s13+$0xFFFFFF90] =	vst v7  }
0x49: {  	v7 =	vsel vm1, v1, v23;
	[tilespmem:s13+$0x80] =	vst v8  }
0x4a: {  	vm1 =	veq.s32 v9, $0x1;
	[tilespmem:s13+$0x10] =	vst v7;
	v7 =	vsel vm2, v1, v14  }
0x4b: {  	v8 =	vsel vm1, v6, v16;
	[tilespmem:s13+$0x90] =	vst v7  }
0x4c: {  	v7 =	vsel vm1, v1, v13;
	[tilespmem:s13+$0x100] =	vst v8  }
0x4d: {  	v8 =	vsel vm0, v6, v12;
	[tilespmem:s13+$0x110] =	vst v7  }
0x4e: {  	s31 =	simm.s32 $0x10187;
	[tilespmem:s13+$0x180] =	vst v8  }
0x4f: {  	[hbm4b:s5+s3] =	stream.linear.scatter [tilespmem:s10], [sflag:$0x1], $0x8000, $0x38;
	[tilespmem:$0x10300] =	vst v63  }
0x50: {  	v7 =	vld [tilespmem:s31+$0x0]  }
0x51: {  	v8 =	vld [tilespmem:s31+$0xFFFFFFFA]  }
0x52: {  	v9 =	vld [tilespmem:s31+$0xFFFFFFFB]  }
0x53: {  	v10 =	vld [tilespmem:s31+$0xFFFFFFFC]  }
0x54: {  	v11 =	vld [tilespmem:s31+$0xFFFFFFFD]  }
0x55: {  	v12 =	vld [tilespmem:s31+$0xFFFFFFFE]  }
0x56: {  	v15 =	vld [tilespmem:s31+$0xFFFFFFF9];
	_ =	sdelay $0x1  }
0x57: {  	v13 =	vperm.xlane v7, v0  }
0x58: {  	v26 =	vperm.xlane v8, v0;
	v27 =	vperm.xlane v9, v0  }
0x59: {  	v7 =	vperm.xlane v10, v0;
	v8 =	vperm.xlane v11, v0  }
0x5a: {  	v10 =	vperm.xlane v12, v0;
	v29 =	vperm.xlane v15, v0  }
0x5b: {  	vm1 =	veq.s32 v13, $0x2;
	vm0 =	veq.s32 v13, $0x1;
	vm2 =	veq.s32 v26, $0x2  }
0x5c: {  	v14 =	vld [tilespmem:s31+$0xFFFFFFFF];
	vm3 =	veq.s32 v27, $0x2;
	vm4 =	veq.s32 v7, $0x2;
	vm5 =	veq.s32 v8, $0x2  }
0x5d: {  	vm6 =	veq.s32 v29, $0x2;
	v9 =	vsel vm1, v5, v3;
	v12 =	vsel vm2, v4, v2  }
0x5e: {  	v17 =	vsel vm2, v5, v3;
	vm2 =	veq.s32 v10, $0x2;
	v20 =	vsel vm3, v4, v2  }
0x5f: {  	v15 =	vsel vm3, v5, v3;
	v21 =	vsel vm4, v4, v2;
	v18 =	vsel vm4, v5, v3  }
0x60: {  	v24 =	vsel vm6, v4, v2;
	v25 =	vsel vm6, v5, v3;
	v22 =	vsel vm5, v4, v2  }
0x61: {  	v23 =	vsel vm5, v5, v3;
	v28 =	vsel vm0, v1, v9;
	v9 =	vperm.xlane v14, v0  }
0x62: {  	v11 =	vsel vm1, v4, v2;
	vm1 =	veq.s32 v27, $0x1;
	v19 =	vsel vm2, v4, v2  }
0x63: {  	s14 =	simm.s32 $0x8080;
	v14 =	vsel vm2, v5, v3;
	vm2 =	veq.s32 v26, $0x1;
	vm3 =	veq.s32 v9, $0x2  }
0x64: {  	s15 =	simm.s32 $0x100;
	s16 =	simm.s32 $0x1018F;
	s13 =	simm.s32 $0x8080;
	[tilespmem:s14+$0x390] =	vst v28;
	v16 =	vsel vm3, v4, v2;
	v13 =	vsel vm3, v5, v3;
	vm3 =	veq.s32 v29, $0x1  }
.LBB2_4:
0x65: {  	v26 =	vld [tilespmem:s16+$0x0];
	s15 =	sadd.s32 $0x8, s15;
	vm4 =	veq.s32 v7, $0x1;
	vm5 =	veq.s32 v8, $0x1;
	vm6 =	veq.s32 v10, $0x1  }
0x66: {  	v8 =	vsel vm3, v6, v24;
	v10 =	vsel vm3, v1, v25;
	vm3 =	veq.s32 v9, $0x1;
	v7 =	vld [tilespmem:s16+$0xFFFFFFFA];
	p0 =	slt.u32 s15, $0x1F8  }
0x67: {  	v9 =	vld [tilespmem:s16+$0xFFFFFFFB];
	[tilespmem:s14+$0x0] =	vst v8;
	v8 =	vsel vm2, v6, v12;
	v12 =	vsel vm2, v1, v17;
	v17 =	vsel vm1, v6, v20  }
0x68: {  	v18 =	vsel vm4, v1, v18;
	v20 =	vld [tilespmem:s16+$0xFFFFFFFC];
	[tilespmem:s14+$0x10] =	vst v10;
	v10 =	vsel vm1, v1, v15;
	v15 =	vsel vm4, v6, v21  }
0x69: {  	v22 =	vsel vm5, v6, v22;
	v23 =	vsel vm5, v1, v23;
	v19 =	vsel vm6, v6, v19;
	v21 =	vld [tilespmem:s16+$0xFFFFFFFD];
	[tilespmem:s14+$0x80] =	vst v8  }
0x6a: {  	v14 =	vsel vm6, v1, v14;
	v16 =	vsel vm3, v6, v16;
	v24 =	vld [tilespmem:s16+$0xFFFFFFFE];
	v8 =	vperm.xlane v26, v0;
	[tilespmem:s14+$0x90] =	vst v12  }
0x6b: {  	v27 =	vsel vm0, v6, v11;
	v13 =	vsel vm3, v1, v13;
	v26 =	vperm.xlane v7, v0;
	v25 =	vld [tilespmem:s16+$0xFFFFFFFF];
	[tilespmem:s14+$0x100] =	vst v17  }
0x6c: {  	v11 =	vld [tilespmem:s16+$0xFFFFFFF9];
	v28 =	vperm.xlane v9, v0;
	vm1 =	veq.s32 v8, $0x2;
	[tilespmem:s14+$0x110] =	vst v10  }
0x6d: {  	vm0 =	veq.s32 v8, $0x1;
	v7 =	vperm.xlane v20, v0;
	v9 =	vsel vm1, v5, v3;
	[tilespmem:s14+$0x180] =	vst v15  }
0x6e: {  	vm2 =	veq.s32 v26, $0x2;
	s14 =	sadd.s32 $0x400, s14;
	v8 =	vperm.xlane v21, v0;
	v9 =	vsel vm0, v1, v9;
	[tilespmem:s13+$0x190] =	vst v18  }
0x6f: {  	vm3 =	veq.s32 v28, $0x2;
	vm4 =	veq.s32 v7, $0x2;
	v10 =	vperm.xlane v24, v0;
	[tilespmem:s14+$0x390] =	vst v9  }
0x70: {  	v12 =	vsel vm2, v4, v2;
	vm5 =	veq.s32 v8, $0x2;
	v9 =	vperm.xlane v25, v0;
	[tilespmem:s13+$0x200] =	vst v22  }
0x71: {  	v17 =	vsel vm2, v5, v3;
	v29 =	vperm.xlane v11, v0;
	vm2 =	veq.s32 v10, $0x2;
	[tilespmem:s13+$0x210] =	vst v23  }
0x72: {  	v20 =	vsel vm3, v4, v2;
	v15 =	vsel vm3, v5, v3;
	vm3 =	veq.s32 v9, $0x2;
	[tilespmem:s13+$0x280] =	vst v19  }
.Ltmp1:
0x73: {  	v21 =	vsel vm4, v4, v2;
	v18 =	vsel vm4, v5, v3;
	vm6 =	veq.s32 v29, $0x2;
	[tilespmem:s13+$0x290] =	vst v14;
	(pc) =	sbr.rel @p0 .LBB2_4-.Ltmp1, $4  }
0x74: {  	v22 =	vsel vm5, v4, v2;
	v24 =	vsel vm6, v4, v2;
	v25 =	vsel vm6, v5, v3;
	[tilespmem:s13+$0x300] =	vst v16  }
0x75: {  	v23 =	vsel vm5, v5, v3;
	v19 =	vsel vm2, v4, v2;
	v14 =	vsel vm2, v5, v3;
	[tilespmem:s13+$0x310] =	vst v13  }
0x76: {  	v11 =	vsel vm1, v4, v2;
	v16 =	vsel vm3, v4, v2;
	v13 =	vsel vm3, v5, v3;
	[tilespmem:s13+$0x380] =	vst v27;
	s13 =	smov.u32 s14  }
0x77: {  	s16 =	sadd.s32 $0x8, s16;
	vm1 =	veq.s32 v28, $0x1;
	vm2 =	veq.s32 v26, $0x1;
	vm3 =	veq.s32 v29, $0x1  }
0x78: {  	v2 =	vsel vm3, v6, v24  }
0x79: {  	v3 =	vsel vm3, v1, v25;
	[tilespmem:s14+$0x0] =	vst v2  }
0x7a: {  	v2 =	vsel vm2, v6, v12;
	[tilespmem:s14+$0x10] =	vst v3  }
0x7b: {  	v3 =	vsel vm2, v1, v17;
	[tilespmem:s14+$0x80] =	vst v2  }
0x7c: {  	v2 =	vsel vm1, v6, v20;
	[tilespmem:s14+$0x90] =	vst v3  }
0x7d: {  	vm12 =	veq.s32 v7, $0x1;
	v3 =	vsel vm1, v1, v15;
	[tilespmem:s14+$0x100] =	vst v2  }
0x7e: {  	v2 =	vsel vm12, v6, v21;
	[tilespmem:s14+$0x110] =	vst v3  }
0x7f: {  	vm13 =	veq.s32 v8, $0x1;
	v3 =	vsel vm12, v1, v18;
	[tilespmem:s14+$0x180] =	vst v2  }
0x80: {  	v2 =	vsel vm13, v6, v22;
	[tilespmem:s13+$0x190] =	vst v3  }
0x81: {  	vm14 =	veq.s32 v10, $0x1;
	v3 =	vsel vm13, v1, v23;
	[tilespmem:s13+$0x200] =	vst v2  }
0x82: {  	v2 =	vsel vm14, v6, v19;
	[tilespmem:s13+$0x210] =	vst v3  }
0x83: {  	vm15 =	veq.s32 v9, $0x1;
	v3 =	vsel vm14, v1, v14;
	[tilespmem:s13+$0x280] =	vst v2  }
0x84: {  	v2 =	vsel vm15, v6, v16;
	[tilespmem:s13+$0x290] =	vst v3  }
0x85: {  	v1 =	vsel vm15, v1, v13;
	[tilespmem:s13+$0x300] =	vst v2  }
0x86: {  	v2 =	vsel vm0, v6, v11;
	[tilespmem:s13+$0x310] =	vst v1  }
0x87: {  	s12 =	sadd.s32 $0x1, s12;
	[tilespmem:s13+$0x380] =	vst v2  }
0x88: {  	[hbm4b:s6+s3] =	stream.linear.scatter [tilespmem:s11], [sflag:$0x1], $0x8000, $0x38;
	[tilespmem:$0x10300] =	vst v63  }
0x89: {  	p0 =	sne.s32 s12, s7;
	_ =	swait.ge [sflag:s9], $0x8000  }
.Ltmp2:
0x8a: {  	[sflag:s9] =	ssyncset.done $0x0;
	(pc) =	sbr.rel @p0 .LBB2_1-.Ltmp2, $4  }
0x8b: {  	[sflag:s9] =	ssyncadd.s32 $0xFFFF8000  }
0x8c: {  	_ =	swait.ge [sflag:s9], $0x8000  }
0x8d: {  	[sflag:s9] =	ssyncset.done $0x0  }
0x8e: {  	[sflag:s9] =	ssyncadd.s32 $0xFFFF8000  }
0x8f: {  	_ =	sfence.sel $0x180000  }
0x90: {  	[bflag:$0x0] =	sbarrier.arrive $0xFFFF  }
0x91: {  	p0 =	sne.s32 s1, $0x0;
	_ =	strace $0x90000047  }
0x92: {  	s0 =	sadd.s32 @!p0 $0x100000, s0;
	[bflag:$0x2] =	sbarrier.arrive $0xFFFF  }
0x93: {  	[sflag:s0] =	ssyncadd.tile.s32 @!p0 $0x1;
	_ =	shalt  }
.Lfunc_end2:
_tile_overlayer_lowered:
.L_overlay_start_2:
0x94: {  	(tag) =	ssettag $0x2  }
0x95: {  	s0 =	rddreg [dreg:$0x0];
	s2 =	stileid.u32  }
0x96: {  	s1 =	rddreg [dreg:$0x1];
	p0 =	sne.s32 s2, $0x0  }
0x97: {  	s3 =	rddreg [dreg:$0x2];
	[bflag:$0x3] =	sbarrier.arrive $0xFFFF;
	s2 =	simm.s32 @!p0 $0x1C02  }
0x98: {  	[timem:s3], [sflag:s2] =	dma.local @!p0 [hbm:s0], s1  }
0x99: {  	s0 =	simm.s32 @!p0 $0x2  }
0x9a: {  	_ =	swait.ge @!p0 [sflag:s0], s1  }
0x9b: {  	s1 =	ssub.s32 @!p0 $0x0, s1;
	[sflag:s0] =	ssyncset.done @!p0 $0x0  }
0x9c: {  	[sflag:s0] =	ssyncadd.s32 @!p0 s1  }
0x9d: {  	[bflag:$0x3] =	sbarrier.arrive $0xFFFF  }
0x9e: {  	_ =	shalt  }

</sc_bundles>
